<compile_context>
chip_gen: v7x
topology: tpu7x:2x2x1
jax: 0.10.2.dev20260603
libtpu: 0.0.44.dev20260713+nightly
codegen_flags: <defaults>
</compile_context>

<pallas_src>
import functools

import jax
import jax.numpy as jnp
from jax import lax
from jax.experimental import pallas as pl
from jax.experimental.pallas import tpu as pltpu
from jax.experimental.pallas import tpu_sc as plsc

VOCAB = 128
SEQ = 72
D = 1024
BATCH = 4096

NC = 2
NS = 16
NW = NC * NS
LANES = 16

NTOK = BATCH * SEQ
TOK_PER_W = NTOK // NW
CHUNK = 16
N_CHUNKS = TOK_PER_W // CHUNK
NBUF = 3
assert CHUNK % LANES == 0 and TOK_PER_W % CHUNK == 0 and (N_CHUNKS - 3) % NBUF == 0


S_BLK = 8


def _fused_body(tok_ref, pos_ref, out_ref):
    out_ref[...] = tok_ref[...][None, :, :] + pos_ref[...][:, None, :]


def _build_fused(tok_embed, pos2d):
    return pl.pallas_call(
        _fused_body,
        grid=(SEQ // S_BLK,),
        in_specs=[
            pl.BlockSpec((VOCAB, D), lambda s: (0, 0)),
            pl.BlockSpec((S_BLK, D), lambda s: (s, 0)),
        ],
        out_specs=pl.BlockSpec((S_BLK, VOCAB, D), lambda s: (s, 0, 0)),
        out_shape=jax.ShapeDtypeStruct((SEQ, VOCAB, D), jnp.float32),
    )(tok_embed, pos2d)


_MESH = plsc.VectorSubcoreMesh(core_axis_name="c", subcore_axis_name="s")


@functools.partial(
    pl.kernel,
    out_type=jax.ShapeDtypeStruct((NTOK, D), jnp.float32),
    mesh=_MESH,
    scratch_types=[
        pltpu.VMEM((N_CHUNKS, CHUNK), jnp.int32),
        [pltpu.VMEM((CHUNK, D), jnp.float32) for _ in range(NBUF)],
        [pltpu.SemaphoreType.DMA for _ in range(NBUF)],
        [pltpu.SemaphoreType.DMA for _ in range(NBUF)],
    ],
)
def _gather_kernel(idx_hbm, fused_hbm, out_hbm, idx_v, rows, gsems, ssems):
    wid = lax.axis_index("s") * NC + lax.axis_index("c")
    base = wid * TOK_PER_W

    pltpu.sync_copy(idx_hbm.at[pl.ds(wid * N_CHUNKS, N_CHUNKS)], idx_v)

    def fuse(c, carry):
        for l in range(CHUNK // LANES):
            p = base + c * CHUNK + l * LANES + lax.iota(jnp.int32, LANES)
            sl = (c, pl.ds(l * LANES, LANES))
            idx_v[sl] = lax.rem(p, SEQ) * VOCAB + idx_v[sl]
        return carry

    lax.fori_loop(0, N_CHUNKS, fuse, 0)

    def fire_g(i, b):
        pltpu.async_copy(fused_hbm.at[idx_v.at[i]], rows[b], gsems[b])

    def wait_g(i, b):
        pltpu.make_async_copy(fused_hbm.at[idx_v.at[i]], rows[b], gsems[b]).wait()

    def fire_s(i, b):
        pltpu.async_copy(rows[b], out_hbm.at[pl.ds(base + i * CHUNK, CHUNK)], ssems[b])

    def wait_s(i, b):
        pltpu.make_async_copy(
            rows[b], out_hbm.at[pl.ds(base + i * CHUNK, CHUNK)], ssems[b]
        ).wait()

    fire_g(0, 0)
    fire_g(1, 1)
    wait_g(0, 0)
    fire_s(0, 0)
    fire_g(2, 2)

    def step(k, carry):
        for b in range(NBUF):
            i = k * NBUF + b + 1
            bi = (b + 1) % NBUF
            wait_g(i, bi)
            fire_s(i, bi)
            wait_s(i - 1, b)
            fire_g(i + 2, b)
        return carry

    lax.fori_loop(0, (N_CHUNKS - 3) // NBUF, step, 0)

    for i in (N_CHUNKS - 2, N_CHUNKS - 1):
        wait_g(i, i % NBUF)
        fire_s(i, i % NBUF)
    for i in (N_CHUNKS - 3, N_CHUNKS - 2, N_CHUNKS - 1):
        wait_s(i, i % NBUF)


def kernel(x, tok_embed, pos_embed):
    pos2d = pos_embed.reshape(SEQ, D).astype(jnp.float32)
    fused = _build_fused(tok_embed.astype(jnp.float32), pos2d)
    fused_flat = fused.reshape(SEQ * VOCAB, D)
    x2d = x.reshape(NW * N_CHUNKS, CHUNK).astype(jnp.int32)
    out = _gather_kernel(x2d, fused_flat)
    return out.reshape(BATCH, SEQ, D)

# --- scband reference (transcript-rebuilt; emitter-appended) ---
"""Pipeline reference for scband-square-token-stem-20091857011502 (READ-ONLY COPY).

The authoritative reference and input builder live on the scoring server;
editing this copy changes nothing except your own understanding.
"""

import jax, jax.numpy as jnp
import numpy as np

VOCAB = 128
SEQ_LEN = 72
D_MODEL = 1024
POS_INIT_SCALE = 0.02


def setup_inputs(seed: int = 0) -> dict:
    key = jax.random.key(seed)
    k1, k2, k3 = jax.random.split(key, 3)
    x = jax.random.randint(k1, (4096, SEQ_LEN), 0, VOCAB, dtype=jnp.int64 if jax.config.jax_enable_x64 else jnp.int32)
    tok_embed = jax.random.normal(k2, (VOCAB, D_MODEL), dtype=jnp.float32)
    pos_embed = jax.random.normal(k3, (1, SEQ_LEN, D_MODEL), dtype=jnp.float32) * POS_INIT_SCALE
    return {"x": x, "tok_embed": tok_embed, "pos_embed": pos_embed}


def reference(x, tok_embed, pos_embed):
    # nn.Embedding lookup -> gather rows, then add learned positional embedding (broadcast over batch)
    emb = jnp.take(tok_embed, x, axis=0)  # (B, 72, d_model)
    return emb + pos_embed

if __name__ == "__main__":
    import jax
    _d = setup_inputs()
    print(jax.jit(kernel)(*tuple(_d.values())))

</pallas_src>

<mosaic_0001>
#map = affine_map<(d0, d1) -> (0, 0)>
module attributes {stable_mosaic.version = 14 : i64} {
  func.func @_gather_kernel(%arg0: i32, %arg1: i32, %arg2: memref<18432x16xi32, #tpu.memory_space<hbm>>, %arg3: memref<9216x1024xf32, #tpu.memory_space<hbm>>, %arg4: memref<294912x1024xf32, #tpu.memory_space<hbm>>, %arg5: memref<576x16xi32, #tpu.memory_space<vmem>>, %arg6: memref<16x1024xf32, #tpu.memory_space<vmem>>, %arg7: memref<16x1024xf32, #tpu.memory_space<vmem>>, %arg8: memref<16x1024xf32, #tpu.memory_space<vmem>>, %arg9: memref<!tpu.dma_semaphore, #tpu.memory_space<semaphore_mem>>, %arg10: memref<!tpu.dma_semaphore, #tpu.memory_space<semaphore_mem>>, %arg11: memref<!tpu.dma_semaphore, #tpu.memory_space<semaphore_mem>>, %arg12: memref<!tpu.dma_semaphore, #tpu.memory_space<semaphore_mem>>, %arg13: memref<!tpu.dma_semaphore, #tpu.memory_space<semaphore_mem>>, %arg14: memref<!tpu.dma_semaphore, #tpu.memory_space<semaphore_mem>>) attributes {dimension_semantics = [#tpu.dimension_semantics<core_parallel>, #tpu.dimension_semantics<subcore_parallel>], iteration_bounds = array<i64: 2, 16>, scalar_prefetch = 0 : i64, scratch_operands = 10 : i64, tpu.core_type = #tpu.core_type<sc_vector_subcore>, window_params = [{transform_indices = #map}, {transform_indices = #map}, {transform_indices = #map}]} {
    %mul3A = arith.constant 2 : i32
    %mul3A_0 = arith.muli %arg1, %mul3A : i32
    %add3A = arith.addi %mul3A_0, %arg0 : i32
    %mul3A_1 = arith.constant 9216 : i32
    %mul3A_2 = arith.muli %add3A, %mul3A_1 : i32
    %mul3A_3 = arith.constant 576 : i32
    %mul3A_4 = arith.muli %add3A, %mul3A_3 : i32
    "tpu.region"() ({
      %run_scoped3A = tpu.sem_alloc : memref<!tpu.dma_semaphore, #tpu.memory_space<semaphore_mem>>
      %dma_start3A_92 = arith.constant 0 : i32
      %dma_start3A_93 = tpu.memref_slice %arg2[%mul3A_4, %dma_start3A_92] : memref<18432x16xi32, #tpu.memory_space<hbm>> -> memref<576x16xi32, #tpu.memory_space<hbm>>
      %dma_start3A_94 = arith.constant 0 : i32
      %dma_start3A_95 = tpu.memref_slice %arg2[%mul3A_4, %dma_start3A_94] : memref<18432x16xi32, #tpu.memory_space<hbm>> -> memref<576x16xi32, #tpu.memory_space<hbm>>
      tpu.enqueue_dma source(%dma_start3A_95 : memref<576x16xi32, #tpu.memory_space<hbm>>) target(%arg5 : memref<576x16xi32, #tpu.memory_space<vmem>>) target_semaphore(%run_scoped3A : memref<!tpu.dma_semaphore, #tpu.memory_space<semaphore_mem>>)
      %dma_wait3A_96 = arith.constant 0 : i32
      %dma_wait3A_97 = tpu.memref_slice %arg2[%mul3A_4, %dma_wait3A_96] : memref<18432x16xi32, #tpu.memory_space<hbm>> -> memref<576x16xi32, #tpu.memory_space<hbm>>
      %dma_wait3A_98 = arith.constant 0 : i32
      %dma_wait3A_99 = tpu.memref_slice %arg2[%mul3A_4, %dma_wait3A_98] : memref<18432x16xi32, #tpu.memory_space<hbm>> -> memref<576x16xi32, #tpu.memory_space<hbm>>
      tpu.wait_dma2 semaphore(%run_scoped3A : memref<!tpu.dma_semaphore, #tpu.memory_space<semaphore_mem>>) src(%dma_wait3A_99 : memref<576x16xi32, #tpu.memory_space<hbm>>) dst(%arg5 : memref<576x16xi32, #tpu.memory_space<vmem>>)
      tpu.yield
    }) : () -> ()
    %scan3A = arith.constant 0 : i32
    %scan3A_5 = arith.constant 0 : i32
    %scan3A_6 = arith.constant 576 : i32
    %scan3A_7 = arith.addi %scan3A_5, %scan3A_6 : i32
    %scan3A_8 = arith.constant 1 : i32
    scf.for %scan3A_92 = %scan3A_5 to %scan3A_7 step %scan3A_8  : i32 {
      %mul3A_93 = arith.constant 16 : i32
      %mul3A_94 = arith.muli %scan3A_92, %mul3A_93 : i32
      %add3A_95 = arith.addi %mul3A_2, %mul3A_94 : i32
      %add3A_96 = arith.constant 0 : i32
      %add3A_97 = arith.addi %add3A_95, %add3A_96 : i32
      %iota3A = tpu.iota {dimensions = array<i32: 0>} : vector<16xi32>
      %add3A_98 = vector.broadcast %add3A_97 : i32 to vector<16xi32>
      %add3A_99 = arith.addi %add3A_98, %iota3A : vector<16xi32>
      %rem3A = arith.constant 72 : i32
      %rem3A_100 = vector.broadcast %rem3A : i32 to vector<16xi32>
      %rem3A_101 = arith.remsi %add3A_99, %rem3A_100 : vector<16xi32>
      %mul3A_102 = arith.constant 128 : i32
      %mul3A_103 = vector.broadcast %mul3A_102 : i32 to vector<16xi32>
      %mul3A_104 = arith.muli %rem3A_101, %mul3A_103 : vector<16xi32>
      %get3A = arith.index_cast %scan3A_92 : i32 to index
      %get3A_105 = arith.constant 0 : index
      %get3A_106 = tpu.vector_load %arg5[%get3A, %get3A_105] {strides = array<i32>} : memref<576x16xi32, #tpu.memory_space<vmem>>, vector<1x16xi32>,
      %get3A_107 = vector.shape_cast %get3A_106 : vector<1x16xi32> to vector<16xi32>
      %add3A_108 = arith.addi %mul3A_104, %get3A_107 : vector<16xi32>
      %swap3A = arith.index_cast %scan3A_92 : i32 to index
      %swap3A_109 = arith.constant 0 : index
      %swap3A_110 = tpu.vector_load %arg5[%swap3A, %swap3A_109] {strides = array<i32>} : memref<576x16xi32, #tpu.memory_space<vmem>>, vector<1x16xi32>,
      %swap3A_111 = vector.shape_cast %swap3A_110 : vector<1x16xi32> to vector<16xi32>
      %swap3A_112 = vector.shape_cast %add3A_108 : vector<16xi32> to vector<1x16xi32>
      tpu.vector_store %arg5[%swap3A, %swap3A_109], %swap3A_112 {strides = array<i32>} : memref<576x16xi32, #tpu.memory_space<vmem>>, vector<1x16xi32>,
    }
    %scan3A_9 = arith.constant 576 : i32
    %dma_start3A = arith.constant 0 : i32
    %dma_start3A_10 = arith.constant 0 : i32
    %dma_start3A_11 = tpu.memref_slice %arg5[%dma_start3A, %dma_start3A_10] : memref<576x16xi32, #tpu.memory_space<vmem>> -> memref<1x16xi32, #tpu.memory_space<vmem>>
    %dma_start3A_12 = tpu.memref_squeeze %dma_start3A_11 : memref<1x16xi32, #tpu.memory_space<vmem>> -> memref<16xi32, #tpu.memory_space<vmem>>
    %dma_start3A_13 = arith.constant 0 : i32
    %dma_start3A_14 = arith.constant 0 : i32
    %dma_start3A_15 = tpu.memref_slice %arg3[%dma_start3A_13, %dma_start3A_14] : memref<9216x1024xf32, #tpu.memory_space<hbm>> -> memref<9216x1024xf32, #tpu.memory_space<hbm>>
    tpu.enqueue_indirect_dma source(%dma_start3A_15 : memref<9216x1024xf32, #tpu.memory_space<hbm>>) target(%arg6 : memref<16x1024xf32, #tpu.memory_space<vmem>>) offsets(%dma_start3A_12 : memref<16xi32, #tpu.memory_space<vmem>>) semaphore(%arg9 : memref<!tpu.dma_semaphore, #tpu.memory_space<semaphore_mem>>)
    %dma_start3A_16 = arith.constant 1 : i32
    %dma_start3A_17 = arith.constant 0 : i32
    %dma_start3A_18 = tpu.memref_slice %arg5[%dma_start3A_16, %dma_start3A_17] : memref<576x16xi32, #tpu.memory_space<vmem>> -> memref<1x16xi32, #tpu.memory_space<vmem>>
    %dma_start3A_19 = tpu.memref_squeeze %dma_start3A_18 : memref<1x16xi32, #tpu.memory_space<vmem>> -> memref<16xi32, #tpu.memory_space<vmem>>
    %dma_start3A_20 = arith.constant 0 : i32
    %dma_start3A_21 = arith.constant 0 : i32
    %dma_start3A_22 = tpu.memref_slice %arg3[%dma_start3A_20, %dma_start3A_21] : memref<9216x1024xf32, #tpu.memory_space<hbm>> -> memref<9216x1024xf32, #tpu.memory_space<hbm>>
    tpu.enqueue_indirect_dma source(%dma_start3A_22 : memref<9216x1024xf32, #tpu.memory_space<hbm>>) target(%arg7 : memref<16x1024xf32, #tpu.memory_space<vmem>>) offsets(%dma_start3A_19 : memref<16xi32, #tpu.memory_space<vmem>>) semaphore(%arg10 : memref<!tpu.dma_semaphore, #tpu.memory_space<semaphore_mem>>)
    %dma_wait3A = arith.constant 0 : i32
    %dma_wait3A_23 = arith.constant 0 : i32
    %dma_wait3A_24 = tpu.memref_slice %arg5[%dma_wait3A, %dma_wait3A_23] : memref<576x16xi32, #tpu.memory_space<vmem>> -> memref<1x16xi32, #tpu.memory_space<vmem>>
    %dma_wait3A_25 = tpu.memref_squeeze %dma_wait3A_24 : memref<1x16xi32, #tpu.memory_space<vmem>> -> memref<16xi32, #tpu.memory_space<vmem>>
    %dma_wait3A_26 = arith.constant 0 : i32
    %dma_wait3A_27 = arith.constant 0 : i32
    %dma_wait3A_28 = tpu.memref_slice %arg3[%dma_wait3A_26, %dma_wait3A_27] : memref<9216x1024xf32, #tpu.memory_space<hbm>> -> memref<9216x1024xf32, #tpu.memory_space<hbm>>
    tpu.wait_indirect_dma semaphore(%arg9 : memref<!tpu.dma_semaphore, #tpu.memory_space<semaphore_mem>>) src(%dma_wait3A_28 : memref<9216x1024xf32, #tpu.memory_space<hbm>>) dst(%arg6 : memref<16x1024xf32, #tpu.memory_space<vmem>>)
    %add3A_29 = arith.constant 0 : i32
    %add3A_30 = arith.addi %mul3A_2, %add3A_29 : i32
    %dma_start3A_31 = arith.constant 0 : i32
    %dma_start3A_32 = tpu.memref_slice %arg4[%add3A_30, %dma_start3A_31] : memref<294912x1024xf32, #tpu.memory_space<hbm>> -> memref<16x1024xf32, #tpu.memory_space<hbm>>
    %dma_start3A_33 = arith.constant 0 : i32
    %dma_start3A_34 = tpu.memref_slice %arg4[%add3A_30, %dma_start3A_33] : memref<294912x1024xf32, #tpu.memory_space<hbm>> -> memref<16x1024xf32, #tpu.memory_space<hbm>>
    tpu.enqueue_dma source(%arg6 : memref<16x1024xf32, #tpu.memory_space<vmem>>) target(%dma_start3A_34 : memref<16x1024xf32, #tpu.memory_space<hbm>>) target_semaphore(%arg12 : memref<!tpu.dma_semaphore, #tpu.memory_space<semaphore_mem>>)
    %dma_start3A_35 = arith.constant 2 : i32
    %dma_start3A_36 = arith.constant 0 : i32
    %dma_start3A_37 = tpu.memref_slice %arg5[%dma_start3A_35, %dma_start3A_36] : memref<576x16xi32, #tpu.memory_space<vmem>> -> memref<1x16xi32, #tpu.memory_space<vmem>>
    %dma_start3A_38 = tpu.memref_squeeze %dma_start3A_37 : memref<1x16xi32, #tpu.memory_space<vmem>> -> memref<16xi32, #tpu.memory_space<vmem>>
    %dma_start3A_39 = arith.constant 0 : i32
    %dma_start3A_40 = arith.constant 0 : i32
    %dma_start3A_41 = tpu.memref_slice %arg3[%dma_start3A_39, %dma_start3A_40] : memref<9216x1024xf32, #tpu.memory_space<hbm>> -> memref<9216x1024xf32, #tpu.memory_space<hbm>>
    tpu.enqueue_indirect_dma source(%dma_start3A_41 : memref<9216x1024xf32, #tpu.memory_space<hbm>>) target(%arg8 : memref<16x1024xf32, #tpu.memory_space<vmem>>) offsets(%dma_start3A_38 : memref<16xi32, #tpu.memory_space<vmem>>) semaphore(%arg11 : memref<!tpu.dma_semaphore, #tpu.memory_space<semaphore_mem>>)
    %scan3A_42 = arith.constant 0 : i32
    %scan3A_43 = arith.constant 0 : i32
    %scan3A_44 = arith.constant 191 : i32
    %scan3A_45 = arith.addi %scan3A_43, %scan3A_44 : i32
    %scan3A_46 = arith.constant 1 : i32
    scf.for %scan3A_92 = %scan3A_43 to %scan3A_45 step %scan3A_46  : i32 {
      %mul3A_93 = arith.constant 3 : i32
      %mul3A_94 = arith.muli %scan3A_92, %mul3A_93 : i32
      %add3A_95 = arith.constant 0 : i32
      %add3A_96 = arith.addi %mul3A_94, %add3A_95 : i32
      %add3A_97 = arith.constant 1 : i32
      %add3A_98 = arith.addi %add3A_96, %add3A_97 : i32
      %dma_wait3A_99 = arith.constant 0 : i32
      %dma_wait3A_100 = tpu.memref_slice %arg5[%add3A_98, %dma_wait3A_99] : memref<576x16xi32, #tpu.memory_space<vmem>> -> memref<1x16xi32, #tpu.memory_space<vmem>>
      %dma_wait3A_101 = tpu.memref_squeeze %dma_wait3A_100 : memref<1x16xi32, #tpu.memory_space<vmem>> -> memref<16xi32, #tpu.memory_space<vmem>>
      %dma_wait3A_102 = arith.constant 0 : i32
      %dma_wait3A_103 = arith.constant 0 : i32
      %dma_wait3A_104 = tpu.memref_slice %arg3[%dma_wait3A_102, %dma_wait3A_103] : memref<9216x1024xf32, #tpu.memory_space<hbm>> -> memref<9216x1024xf32, #tpu.memory_space<hbm>>
      tpu.wait_indirect_dma semaphore(%arg10 : memref<!tpu.dma_semaphore, #tpu.memory_space<semaphore_mem>>) src(%dma_wait3A_104 : memref<9216x1024xf32, #tpu.memory_space<hbm>>) dst(%arg7 : memref<16x1024xf32, #tpu.memory_space<vmem>>)
      %mul3A_105 = arith.constant 16 : i32
      %mul3A_106 = arith.muli %add3A_98, %mul3A_105 : i32
      %add3A_107 = arith.addi %mul3A_2, %mul3A_106 : i32
      %dma_start3A_108 = arith.constant 0 : i32
      %dma_start3A_109 = tpu.memref_slice %arg4[%add3A_107, %dma_start3A_108] : memref<294912x1024xf32, #tpu.memory_space<hbm>> -> memref<16x1024xf32, #tpu.memory_space<hbm>>
      %dma_start3A_110 = arith.constant 0 : i32
      %dma_start3A_111 = tpu.memref_slice %arg4[%add3A_107, %dma_start3A_110] : memref<294912x1024xf32, #tpu.memory_space<hbm>> -> memref<16x1024xf32, #tpu.memory_space<hbm>>
      tpu.enqueue_dma source(%arg7 : memref<16x1024xf32, #tpu.memory_space<vmem>>) target(%dma_start3A_111 : memref<16x1024xf32, #tpu.memory_space<hbm>>) target_semaphore(%arg13 : memref<!tpu.dma_semaphore, #tpu.memory_space<semaphore_mem>>)
      %sub3A = arith.constant 1 : i32
      %sub3A_112 = arith.subi %add3A_98, %sub3A : i32
      %mul3A_113 = arith.constant 16 : i32
      %mul3A_114 = arith.muli %sub3A_112, %mul3A_113 : i32
      %add3A_115 = arith.addi %mul3A_2, %mul3A_114 : i32
      %dma_wait3A_116 = arith.constant 0 : i32
      %dma_wait3A_117 = tpu.memref_slice %arg4[%add3A_115, %dma_wait3A_116] : memref<294912x1024xf32, #tpu.memory_space<hbm>> -> memref<16x1024xf32, #tpu.memory_space<hbm>>
      %dma_wait3A_118 = arith.constant 0 : i32
      %dma_wait3A_119 = tpu.memref_slice %arg4[%add3A_115, %dma_wait3A_118] : memref<294912x1024xf32, #tpu.memory_space<hbm>> -> memref<16x1024xf32, #tpu.memory_space<hbm>>
      tpu.wait_dma2 semaphore(%arg12 : memref<!tpu.dma_semaphore, #tpu.memory_space<semaphore_mem>>) src(%arg6 : memref<16x1024xf32, #tpu.memory_space<vmem>>) dst(%dma_wait3A_119 : memref<16x1024xf32, #tpu.memory_space<hbm>>)
      %add3A_120 = arith.constant 2 : i32
      %add3A_121 = arith.addi %add3A_98, %add3A_120 : i32
      %dma_start3A_122 = arith.constant 0 : i32
      %dma_start3A_123 = tpu.memref_slice %arg5[%add3A_121, %dma_start3A_122] : memref<576x16xi32, #tpu.memory_space<vmem>> -> memref<1x16xi32, #tpu.memory_space<vmem>>
      %dma_start3A_124 = tpu.memref_squeeze %dma_start3A_123 : memref<1x16xi32, #tpu.memory_space<vmem>> -> memref<16xi32, #tpu.memory_space<vmem>>
      %dma_start3A_125 = arith.constant 0 : i32
      %dma_start3A_126 = arith.constant 0 : i32
      %dma_start3A_127 = tpu.memref_slice %arg3[%dma_start3A_125, %dma_start3A_126] : memref<9216x1024xf32, #tpu.memory_space<hbm>> -> memref<9216x1024xf32, #tpu.memory_space<hbm>>
      tpu.enqueue_indirect_dma source(%dma_start3A_127 : memref<9216x1024xf32, #tpu.memory_space<hbm>>) target(%arg6 : memref<16x1024xf32, #tpu.memory_space<vmem>>) offsets(%dma_start3A_124 : memref<16xi32, #tpu.memory_space<vmem>>) semaphore(%arg9 : memref<!tpu.dma_semaphore, #tpu.memory_space<semaphore_mem>>)
      %mul3A_128 = arith.constant 3 : i32
      %mul3A_129 = arith.muli %scan3A_92, %mul3A_128 : i32
      %add3A_130 = arith.constant 1 : i32
      %add3A_131 = arith.addi %mul3A_129, %add3A_130 : i32
      %add3A_132 = arith.constant 1 : i32
      %add3A_133 = arith.addi %add3A_131, %add3A_132 : i32
      %dma_wait3A_134 = arith.constant 0 : i32
      %dma_wait3A_135 = tpu.memref_slice %arg5[%add3A_133, %dma_wait3A_134] : memref<576x16xi32, #tpu.memory_space<vmem>> -> memref<1x16xi32, #tpu.memory_space<vmem>>
      %dma_wait3A_136 = tpu.memref_squeeze %dma_wait3A_135 : memref<1x16xi32, #tpu.memory_space<vmem>> -> memref<16xi32, #tpu.memory_space<vmem>>
      %dma_wait3A_137 = arith.constant 0 : i32
      %dma_wait3A_138 = arith.constant 0 : i32
      %dma_wait3A_139 = tpu.memref_slice %arg3[%dma_wait3A_137, %dma_wait3A_138] : memref<9216x1024xf32, #tpu.memory_space<hbm>> -> memref<9216x1024xf32, #tpu.memory_space<hbm>>
      tpu.wait_indirect_dma semaphore(%arg11 : memref<!tpu.dma_semaphore, #tpu.memory_space<semaphore_mem>>) src(%dma_wait3A_139 : memref<9216x1024xf32, #tpu.memory_space<hbm>>) dst(%arg8 : memref<16x1024xf32, #tpu.memory_space<vmem>>)
      %mul3A_140 = arith.constant 16 : i32
      %mul3A_141 = arith.muli %add3A_133, %mul3A_140 : i32
      %add3A_142 = arith.addi %mul3A_2, %mul3A_141 : i32
      %dma_start3A_143 = arith.constant 0 : i32
      %dma_start3A_144 = tpu.memref_slice %arg4[%add3A_142, %dma_start3A_143] : memref<294912x1024xf32, #tpu.memory_space<hbm>> -> memref<16x1024xf32, #tpu.memory_space<hbm>>
      %dma_start3A_145 = arith.constant 0 : i32
      %dma_start3A_146 = tpu.memref_slice %arg4[%add3A_142, %dma_start3A_145] : memref<294912x1024xf32, #tpu.memory_space<hbm>> -> memref<16x1024xf32, #tpu.memory_space<hbm>>
      tpu.enqueue_dma source(%arg8 : memref<16x1024xf32, #tpu.memory_space<vmem>>) target(%dma_start3A_146 : memref<16x1024xf32, #tpu.memory_space<hbm>>) target_semaphore(%arg14 : memref<!tpu.dma_semaphore, #tpu.memory_space<semaphore_mem>>)
      %sub3A_147 = arith.constant 1 : i32
      %sub3A_148 = arith.subi %add3A_133, %sub3A_147 : i32
      %mul3A_149 = arith.constant 16 : i32
      %mul3A_150 = arith.muli %sub3A_148, %mul3A_149 : i32
      %add3A_151 = arith.addi %mul3A_2, %mul3A_150 : i32
      %dma_wait3A_152 = arith.constant 0 : i32
      %dma_wait3A_153 = tpu.memref_slice %arg4[%add3A_151, %dma_wait3A_152] : memref<294912x1024xf32, #tpu.memory_space<hbm>> -> memref<16x1024xf32, #tpu.memory_space<hbm>>
      %dma_wait3A_154 = arith.constant 0 : i32
      %dma_wait3A_155 = tpu.memref_slice %arg4[%add3A_151, %dma_wait3A_154] : memref<294912x1024xf32, #tpu.memory_space<hbm>> -> memref<16x1024xf32, #tpu.memory_space<hbm>>
      tpu.wait_dma2 semaphore(%arg13 : memref<!tpu.dma_semaphore, #tpu.memory_space<semaphore_mem>>) src(%arg7 : memref<16x1024xf32, #tpu.memory_space<vmem>>) dst(%dma_wait3A_155 : memref<16x1024xf32, #tpu.memory_space<hbm>>)
      %add3A_156 = arith.constant 2 : i32
      %add3A_157 = arith.addi %add3A_133, %add3A_156 : i32
      %dma_start3A_158 = arith.constant 0 : i32
      %dma_start3A_159 = tpu.memref_slice %arg5[%add3A_157, %dma_start3A_158] : memref<576x16xi32, #tpu.memory_space<vmem>> -> memref<1x16xi32, #tpu.memory_space<vmem>>
      %dma_start3A_160 = tpu.memref_squeeze %dma_start3A_159 : memref<1x16xi32, #tpu.memory_space<vmem>> -> memref<16xi32, #tpu.memory_space<vmem>>
      %dma_start3A_161 = arith.constant 0 : i32
      %dma_start3A_162 = arith.constant 0 : i32
      %dma_start3A_163 = tpu.memref_slice %arg3[%dma_start3A_161, %dma_start3A_162] : memref<9216x1024xf32, #tpu.memory_space<hbm>> -> memref<9216x1024xf32, #tpu.memory_space<hbm>>
      tpu.enqueue_indirect_dma source(%dma_start3A_163 : memref<9216x1024xf32, #tpu.memory_space<hbm>>) target(%arg7 : memref<16x1024xf32, #tpu.memory_space<vmem>>) offsets(%dma_start3A_160 : memref<16xi32, #tpu.memory_space<vmem>>) semaphore(%arg10 : memref<!tpu.dma_semaphore, #tpu.memory_space<semaphore_mem>>)
      %mul3A_164 = arith.constant 3 : i32
      %mul3A_165 = arith.muli %scan3A_92, %mul3A_164 : i32
      %add3A_166 = arith.constant 2 : i32
      %add3A_167 = arith.addi %mul3A_165, %add3A_166 : i32
      %add3A_168 = arith.constant 1 : i32
      %add3A_169 = arith.addi %add3A_167, %add3A_168 : i32
      %dma_wait3A_170 = arith.constant 0 : i32
      %dma_wait3A_171 = tpu.memref_slice %arg5[%add3A_169, %dma_wait3A_170] : memref<576x16xi32, #tpu.memory_space<vmem>> -> memref<1x16xi32, #tpu.memory_space<vmem>>
      %dma_wait3A_172 = tpu.memref_squeeze %dma_wait3A_171 : memref<1x16xi32, #tpu.memory_space<vmem>> -> memref<16xi32, #tpu.memory_space<vmem>>
      %dma_wait3A_173 = arith.constant 0 : i32
      %dma_wait3A_174 = arith.constant 0 : i32
      %dma_wait3A_175 = tpu.memref_slice %arg3[%dma_wait3A_173, %dma_wait3A_174] : memref<9216x1024xf32, #tpu.memory_space<hbm>> -> memref<9216x1024xf32, #tpu.memory_space<hbm>>
      tpu.wait_indirect_dma semaphore(%arg9 : memref<!tpu.dma_semaphore, #tpu.memory_space<semaphore_mem>>) src(%dma_wait3A_175 : memref<9216x1024xf32, #tpu.memory_space<hbm>>) dst(%arg6 : memref<16x1024xf32, #tpu.memory_space<vmem>>)
      %mul3A_176 = arith.constant 16 : i32
      %mul3A_177 = arith.muli %add3A_169, %mul3A_176 : i32
      %add3A_178 = arith.addi %mul3A_2, %mul3A_177 : i32
      %dma_start3A_179 = arith.constant 0 : i32
      %dma_start3A_180 = tpu.memref_slice %arg4[%add3A_178, %dma_start3A_179] : memref<294912x1024xf32, #tpu.memory_space<hbm>> -> memref<16x1024xf32, #tpu.memory_space<hbm>>
      %dma_start3A_181 = arith.constant 0 : i32
      %dma_start3A_182 = tpu.memref_slice %arg4[%add3A_178, %dma_start3A_181] : memref<294912x1024xf32, #tpu.memory_space<hbm>> -> memref<16x1024xf32, #tpu.memory_space<hbm>>
      tpu.enqueue_dma source(%arg6 : memref<16x1024xf32, #tpu.memory_space<vmem>>) target(%dma_start3A_182 : memref<16x1024xf32, #tpu.memory_space<hbm>>) target_semaphore(%arg12 : memref<!tpu.dma_semaphore, #tpu.memory_space<semaphore_mem>>)
      %sub3A_183 = arith.constant 1 : i32
      %sub3A_184 = arith.subi %add3A_169, %sub3A_183 : i32
      %mul3A_185 = arith.constant 16 : i32
      %mul3A_186 = arith.muli %sub3A_184, %mul3A_185 : i32
      %add3A_187 = arith.addi %mul3A_2, %mul3A_186 : i32
      %dma_wait3A_188 = arith.constant 0 : i32
      %dma_wait3A_189 = tpu.memref_slice %arg4[%add3A_187, %dma_wait3A_188] : memref<294912x1024xf32, #tpu.memory_space<hbm>> -> memref<16x1024xf32, #tpu.memory_space<hbm>>
      %dma_wait3A_190 = arith.constant 0 : i32
      %dma_wait3A_191 = tpu.memref_slice %arg4[%add3A_187, %dma_wait3A_190] : memref<294912x1024xf32, #tpu.memory_space<hbm>> -> memref<16x1024xf32, #tpu.memory_space<hbm>>
      tpu.wait_dma2 semaphore(%arg14 : memref<!tpu.dma_semaphore, #tpu.memory_space<semaphore_mem>>) src(%arg8 : memref<16x1024xf32, #tpu.memory_space<vmem>>) dst(%dma_wait3A_191 : memref<16x1024xf32, #tpu.memory_space<hbm>>)
      %add3A_192 = arith.constant 2 : i32
      %add3A_193 = arith.addi %add3A_169, %add3A_192 : i32
      %dma_start3A_194 = arith.constant 0 : i32
      %dma_start3A_195 = tpu.memref_slice %arg5[%add3A_193, %dma_start3A_194] : memref<576x16xi32, #tpu.memory_space<vmem>> -> memref<1x16xi32, #tpu.memory_space<vmem>>
      %dma_start3A_196 = tpu.memref_squeeze %dma_start3A_195 : memref<1x16xi32, #tpu.memory_space<vmem>> -> memref<16xi32, #tpu.memory_space<vmem>>
      %dma_start3A_197 = arith.constant 0 : i32
      %dma_start3A_198 = arith.constant 0 : i32
      %dma_start3A_199 = tpu.memref_slice %arg3[%dma_start3A_197, %dma_start3A_198] : memref<9216x1024xf32, #tpu.memory_space<hbm>> -> memref<9216x1024xf32, #tpu.memory_space<hbm>>
      tpu.enqueue_indirect_dma source(%dma_start3A_199 : memref<9216x1024xf32, #tpu.memory_space<hbm>>) target(%arg8 : memref<16x1024xf32, #tpu.memory_space<vmem>>) offsets(%dma_start3A_196 : memref<16xi32, #tpu.memory_space<vmem>>) semaphore(%arg11 : memref<!tpu.dma_semaphore, #tpu.memory_space<semaphore_mem>>)
    }
    %scan3A_47 = arith.constant 191 : i32
    %dma_wait3A_48 = arith.constant 574 : i32
    %dma_wait3A_49 = arith.constant 0 : i32
    %dma_wait3A_50 = tpu.memref_slice %arg5[%dma_wait3A_48, %dma_wait3A_49] : memref<576x16xi32, #tpu.memory_space<vmem>> -> memref<1x16xi32, #tpu.memory_space<vmem>>
    %dma_wait3A_51 = tpu.memref_squeeze %dma_wait3A_50 : memref<1x16xi32, #tpu.memory_space<vmem>> -> memref<16xi32, #tpu.memory_space<vmem>>
    %dma_wait3A_52 = arith.constant 0 : i32
    %dma_wait3A_53 = arith.constant 0 : i32
    %dma_wait3A_54 = tpu.memref_slice %arg3[%dma_wait3A_52, %dma_wait3A_53] : memref<9216x1024xf32, #tpu.memory_space<hbm>> -> memref<9216x1024xf32, #tpu.memory_space<hbm>>
    tpu.wait_indirect_dma semaphore(%arg10 : memref<!tpu.dma_semaphore, #tpu.memory_space<semaphore_mem>>) src(%dma_wait3A_54 : memref<9216x1024xf32, #tpu.memory_space<hbm>>) dst(%arg7 : memref<16x1024xf32, #tpu.memory_space<vmem>>)
    %add3A_55 = arith.constant 9184 : i32
    %add3A_56 = arith.addi %mul3A_2, %add3A_55 : i32
    %dma_start3A_57 = arith.constant 0 : i32
    %dma_start3A_58 = tpu.memref_slice %arg4[%add3A_56, %dma_start3A_57] : memref<294912x1024xf32, #tpu.memory_space<hbm>> -> memref<16x1024xf32, #tpu.memory_space<hbm>>
    %dma_start3A_59 = arith.constant 0 : i32
    %dma_start3A_60 = tpu.memref_slice %arg4[%add3A_56, %dma_start3A_59] : memref<294912x1024xf32, #tpu.memory_space<hbm>> -> memref<16x1024xf32, #tpu.memory_space<hbm>>
    tpu.enqueue_dma source(%arg7 : memref<16x1024xf32, #tpu.memory_space<vmem>>) target(%dma_start3A_60 : memref<16x1024xf32, #tpu.memory_space<hbm>>) target_semaphore(%arg13 : memref<!tpu.dma_semaphore, #tpu.memory_space<semaphore_mem>>)
    %dma_wait3A_61 = arith.constant 575 : i32
    %dma_wait3A_62 = arith.constant 0 : i32
    %dma_wait3A_63 = tpu.memref_slice %arg5[%dma_wait3A_61, %dma_wait3A_62] : memref<576x16xi32, #tpu.memory_space<vmem>> -> memref<1x16xi32, #tpu.memory_space<vmem>>
    %dma_wait3A_64 = tpu.memref_squeeze %dma_wait3A_63 : memref<1x16xi32, #tpu.memory_space<vmem>> -> memref<16xi32, #tpu.memory_space<vmem>>
    %dma_wait3A_65 = arith.constant 0 : i32
    %dma_wait3A_66 = arith.constant 0 : i32
    %dma_wait3A_67 = tpu.memref_slice %arg3[%dma_wait3A_65, %dma_wait3A_66] : memref<9216x1024xf32, #tpu.memory_space<hbm>> -> memref<9216x1024xf32, #tpu.memory_space<hbm>>
    tpu.wait_indirect_dma semaphore(%arg11 : memref<!tpu.dma_semaphore, #tpu.memory_space<semaphore_mem>>) src(%dma_wait3A_67 : memref<9216x1024xf32, #tpu.memory_space<hbm>>) dst(%arg8 : memref<16x1024xf32, #tpu.memory_space<vmem>>)
    %add3A_68 = arith.constant 9200 : i32
    %add3A_69 = arith.addi %mul3A_2, %add3A_68 : i32
    %dma_start3A_70 = arith.constant 0 : i32
    %dma_start3A_71 = tpu.memref_slice %arg4[%add3A_69, %dma_start3A_70] : memref<294912x1024xf32, #tpu.memory_space<hbm>> -> memref<16x1024xf32, #tpu.memory_space<hbm>>
    %dma_start3A_72 = arith.constant 0 : i32
    %dma_start3A_73 = tpu.memref_slice %arg4[%add3A_69, %dma_start3A_72] : memref<294912x1024xf32, #tpu.memory_space<hbm>> -> memref<16x1024xf32, #tpu.memory_space<hbm>>
    tpu.enqueue_dma source(%arg8 : memref<16x1024xf32, #tpu.memory_space<vmem>>) target(%dma_start3A_73 : memref<16x1024xf32, #tpu.memory_space<hbm>>) target_semaphore(%arg14 : memref<!tpu.dma_semaphore, #tpu.memory_space<semaphore_mem>>)
    %add3A_74 = arith.constant 9168 : i32
    %add3A_75 = arith.addi %mul3A_2, %add3A_74 : i32
    %dma_wait3A_76 = arith.constant 0 : i32
    %dma_wait3A_77 = tpu.memref_slice %arg4[%add3A_75, %dma_wait3A_76] : memref<294912x1024xf32, #tpu.memory_space<hbm>> -> memref<16x1024xf32, #tpu.memory_space<hbm>>
    %dma_wait3A_78 = arith.constant 0 : i32
    %dma_wait3A_79 = tpu.memref_slice %arg4[%add3A_75, %dma_wait3A_78] : memref<294912x1024xf32, #tpu.memory_space<hbm>> -> memref<16x1024xf32, #tpu.memory_space<hbm>>
    tpu.wait_dma2 semaphore(%arg12 : memref<!tpu.dma_semaphore, #tpu.memory_space<semaphore_mem>>) src(%arg6 : memref<16x1024xf32, #tpu.memory_space<vmem>>) dst(%dma_wait3A_79 : memref<16x1024xf32, #tpu.memory_space<hbm>>)
    %add3A_80 = arith.constant 9184 : i32
    %add3A_81 = arith.addi %mul3A_2, %add3A_80 : i32
    %dma_wait3A_82 = arith.constant 0 : i32
    %dma_wait3A_83 = tpu.memref_slice %arg4[%add3A_81, %dma_wait3A_82] : memref<294912x1024xf32, #tpu.memory_space<hbm>> -> memref<16x1024xf32, #tpu.memory_space<hbm>>
    %dma_wait3A_84 = arith.constant 0 : i32
    %dma_wait3A_85 = tpu.memref_slice %arg4[%add3A_81, %dma_wait3A_84] : memref<294912x1024xf32, #tpu.memory_space<hbm>> -> memref<16x1024xf32, #tpu.memory_space<hbm>>
    tpu.wait_dma2 semaphore(%arg13 : memref<!tpu.dma_semaphore, #tpu.memory_space<semaphore_mem>>) src(%arg7 : memref<16x1024xf32, #tpu.memory_space<vmem>>) dst(%dma_wait3A_85 : memref<16x1024xf32, #tpu.memory_space<hbm>>)
    %add3A_86 = arith.constant 9200 : i32
    %add3A_87 = arith.addi %mul3A_2, %add3A_86 : i32
    %dma_wait3A_88 = arith.constant 0 : i32
    %dma_wait3A_89 = tpu.memref_slice %arg4[%add3A_87, %dma_wait3A_88] : memref<294912x1024xf32, #tpu.memory_space<hbm>> -> memref<16x1024xf32, #tpu.memory_space<hbm>>
    %dma_wait3A_90 = arith.constant 0 : i32
    %dma_wait3A_91 = tpu.memref_slice %arg4[%add3A_87, %dma_wait3A_90] : memref<294912x1024xf32, #tpu.memory_space<hbm>> -> memref<16x1024xf32, #tpu.memory_space<hbm>>
    tpu.wait_dma2 semaphore(%arg14 : memref<!tpu.dma_semaphore, #tpu.memory_space<semaphore_mem>>) src(%arg8 : memref<16x1024xf32, #tpu.memory_space<vmem>>) dst(%dma_wait3A_91 : memref<16x1024xf32, #tpu.memory_space<hbm>>)
    return
  }
}

module attributes {stable_mosaic.version = 14 : i64} {
  func.func @_fused_body(%arg0: i32, %arg1: memref<128x1024xf32, #tpu.memory_space<vmem>>, %arg2: memref<8x1024xf32, #tpu.memory_space<vmem>>, %arg3: memref<8x128x1024xf32, #tpu.memory_space<vmem>>) attributes {dimension_semantics = [#tpu.dimension_semantics<arbitrary>], iteration_bounds = array<i64: 9>, scalar_prefetch = 0 : i64, scratch_operands = 0 : i64, tpu.core_type = #tpu.core_type<tc>, window_params = [{pipeline_mode = #tpu.pipeline_mode<synchronous>, transform_indices = @transform_0, window_bounds = array<i64: 128, 1024>}, {transform_indices = @transform_1, window_bounds = array<i64: 8, 1024>}, {transform_indices = @transform_2, window_bounds = array<i64: 8, 128, 1024>}]} {
    %get3A = arith.constant 0 : index
    %get3A_0 = arith.constant 0 : index
    %get3A_1 = vector.load %arg1[%get3A, %get3A_0] : memref<128x1024xf32, #tpu.memory_space<vmem>>, vector<128x1024xf32>
    %broadcast_in_dim3A = vector.shape_cast %get3A_1 : vector<128x1024xf32> to vector<1x128x1024xf32>
    %get3A_2 = arith.constant 0 : index
    %get3A_3 = arith.constant 0 : index
    %get3A_4 = vector.load %arg2[%get3A_2, %get3A_3] : memref<8x1024xf32, #tpu.memory_space<vmem>>, vector<8x1024xf32>
    %broadcast_in_dim3A_5 = vector.shape_cast %get3A_4 : vector<8x1024xf32> to vector<8x1x1024xf32>
    %add3A = vector.broadcast %broadcast_in_dim3A : vector<1x128x1024xf32> to vector<8x128x1024xf32>
    %add3A_6 = vector.broadcast %broadcast_in_dim3A_5 : vector<8x1x1024xf32> to vector<8x128x1024xf32>
    %add3A_7 = arith.addf %add3A, %add3A_6 : vector<8x128x1024xf32>
    %swap3A = arith.constant 0 : index
    %swap3A_8 = arith.constant 0 : index
    %swap3A_9 = arith.constant 0 : index
    %swap3A_10 = vector.load %arg3[%swap3A, %swap3A_8, %swap3A_9] : memref<8x128x1024xf32, #tpu.memory_space<vmem>>, vector<8x128x1024xf32>
    tpu.vector_store %arg3[%swap3A, %swap3A_8, %swap3A_9], %add3A_7 {strides = array<i32>} : memref<8x128x1024xf32, #tpu.memory_space<vmem>>, vector<8x128x1024xf32>,
    return
  }
  func.func @transform_0(%arg0: i32) -> (i32, i32) {
    %c0_i32 = arith.constant 0 : i32
    %c0_i32_0 = arith.constant 0 : i32
    %c0_i32_1 = arith.constant 0 : i32
    return %c0_i32, %c0_i32_0 : i32, i32
  }
  func.func @transform_1(%arg0: i32) -> (i32, i32) {
    %c0_i32 = arith.constant 0 : i32
    %c0_i32_0 = arith.constant 0 : i32
    return %arg0, %c0_i32 : i32, i32
  }
  func.func @transform_2(%arg0: i32) -> (i32, i32, i32) {
    %c0_i32 = arith.constant 0 : i32
    %c0_i32_0 = arith.constant 0 : i32
    %c0_i32_1 = arith.constant 0 : i32
    return %arg0, %c0_i32, %c0_i32_0 : i32, i32, i32
  }
}

</mosaic_0001>

<sc_bundles>
// kernel: kernel.4.cloned.1.call-start
scs
__scs_entry_jumppad:
0x0: {  	(pc) =	sbr.rel $0x88, $3  }
0x1: {  	(tag) =	ssettag $0x0;
	lr =	simm.s32 $0x1  }
0x2: {  	[smem:$0x3F9E] =	sst lr;
	_ =	strace $0xD0000000  }
0x3: {  	_ = 	snop  }
0x4: {  	_ = 	snop  }
0x5: {  	_ = 	snop  }
0x6: {  	_ = 	snop  }
0x7: {  	_ = 	snop  }
__scs_overlays_trampoline_lowered:
0x8: {  	[smem:$0x3FAD] =	sst s0  }
0x9: {  	[smem:$0x3FAE] =	sst s1  }
0xa: {  	[smem:$0x3FAF] =	sst s2  }
0xb: {  	[smem:$0x3FB0] =	sst s3  }
0xc: {  	[smem:$0x3FB1] =	sst s4  }
0xd: {  	[smem:$0x3FB2] =	sst s5  }
0xe: {  	[smem:$0x3FB3] =	sst s6  }
0xf: {  	[smem:$0x3FB4] =	sst s7  }
0x10: {  	[smem:$0x3FB5] =	sst s8  }
0x11: {  	[smem:$0x3FB6] =	sst s9;
	s0 =	simm.s32 @!p0 $0x0  }
0x12: {  	s1 =	sld [smem:$0x3F9C];
	s0 =	simm.s32 @p0 $0x1  }
0x13: {  	[smem:$0x3FB7] =	sst s0;
	s0 =	simm.s32 @!p1 $0x0  }
0x14: {  	s2 =	sld [smem:$0x3F9B];
	s0 =	simm.s32 @p1 $0x1  }
0x15: {  	[smem:$0x3FB8] =	sst s0;
	s0 =	simm.s32 @!p2 $0x0  }
0x16: {  	s3 =	sld [smem:$0x3FDB];
	s0 =	simm.s32 @p2 $0x1  }
0x17: {  	s4 =	simm.s32 $0x1BF5;
	[smem:$0x3FBA] =	sst s0  }
0x18: {  	s0 =	sld [smem:$0x3F9D];
	_ =	swait.ge [sflag:s4], $0x0  }
0x19: {  	s7 =	sld [smem:$0x3F9E]  }
0x1a: {  	s8 =	sadd.s32 $0xFFFFE003, lr  }
0x1b: {  	s9 =	sadd.s32 $0xFFFFFEF7, lr;
	s5 =	simm.s32 $0xFFFFFFFF;
	p2 =	slt.u32 s8, $0xFFFFF086  }
0x1c: {  	p1 =	slt.u32 s9, $0xF7A;
	s5 =	simm.s32 @!p2 $0x0  }
0x1d: {  	s5 =	simm.s32 @p1 $0x1;
	p0 =	seq.s32 s7, s2  }
0x1e: {  	s7 =	smul.u32 @!p0 $0xF7A, s2;
	p2 =	seq.s32 @!p0 s5, $0x0  }
0x1f: {  	s9 =	smul.u32 $0xF7A, s1;
	s8 =	simm.s32 @!p0 $0x1BF5;
	p2 =	por !p2, p0  }
0x20: {  	[sflag:s8] =	ssyncset.s32 @!p0 $0xFFFFF086;
	s6 =	sadd.s32 @!p0 s3, s7;
	s7 =	simm.s32 @!p0 $0x108  }
0x21: {  	s3 =	sadd.s32 s3, s9;
	s6 =	sadd.s32 @!p0 $0x88, s6;
	s7 =	simm.s32 @p2 $0x1082  }
0x22: {  	[simem:s7], [sflag:s8] =	dma.local @!p0 [hbm:s6], $0xF7A  }
0x23: {  	s9 =	sor.u32 $0xD0000000, s2;
	s6 =	simm.s32 $0x108;
	_ =	swait.ge @!p0 [sflag:s8], $0x0  }
0x24: {  	s3 =	sadd.s32 $0x88, s3;
	s6 =	simm.s32 @!p1 $0x1082;
	[sflag:s4] =	ssyncset.s32 $0xFFFFF086  }
0x25: {  	[simem:s6], [sflag:s4] =	dma.local [hbm:s3], $0xF7A  }
0x26: {  	[smem:$0x3F9E] =	sst s1;
	(tag) =	ssettag s2;
	_ =	strace s9  }
0x27: {  	s1 =	sld [smem:$0x3FAE]  }
0x28: {  	s2 =	sld [smem:$0x3FAF]  }
0x29: {  	s4 =	sld [smem:$0x3FB1]  }
0x2a: {  	p0 =	seq.s32 s5, $0x0;
	s5 =	sld [smem:$0x3FB2]  }
0x2b: {  	s6 =	sld [smem:$0x3FB3]  }
0x2c: {  	s7 =	sld [smem:$0x3FB4]  }
0x2d: {  	s3 =	simm.s32 $0x108;
	s8 =	sld [smem:$0x3FB5]  }
0x2e: {  	s3 =	simm.s32 @!p0 $0x1082;
	s9 =	sld [smem:$0x3FB6]  }
0x2f: {  	lr =	sadd.s32 s0, s3;
	s0 =	sld [smem:$0x3FAD]  }
0x30: {  	s3 =	sld [smem:$0x3FB0]  }
0x31: {  	[smem:$0x3FB9] =	sst s10  }
0x32: {  	s10 =	sld [smem:$0x3FB7];
	_ =	sdelay $0x3  }
0x33: {  	p0 =	seq.s32 s10, $0x1;
	s10 =	sld [smem:$0x3FB9];
	_ =	sdelay $0x3  }
0x34: {  	[smem:$0x3FB9] =	sst s10  }
0x35: {  	s10 =	sld [smem:$0x3FB8];
	_ =	sdelay $0x3  }
0x36: {  	p1 =	seq.s32 s10, $0x1;
	s10 =	sld [smem:$0x3FB9];
	_ =	sdelay $0x3  }
0x37: {  	[smem:$0x3FB9] =	sst s10  }
0x38: {  	s10 =	sld [smem:$0x3FBA]  }
0x39: {  	_ = 	snop;
	(pc) =	sbr.ind lr, $3  }
0x3a: {  	_ = 	snop  }
0x3b: {  	_ = 	snop  }
0x3c: {  	p2 =	seq.s32 s10, $0x1;
	s10 =	sld [smem:$0x3FB9]  }
0x3d: {  	_ =	shalt  }
0x3e: {  	_ =	shalt  }
0x3f: {  	_ =	shalt  }
0x40: {  	_ =	shalt  }
0x41: {  	_ =	shalt  }
0x42: {  	_ =	shalt  }
0x43: {  	_ =	shalt  }
0x44: {  	_ =	shalt  }
0x45: {  	_ =	shalt  }
0x46: {  	_ =	shalt  }
0x47: {  	_ =	shalt  }
0x48: {  	_ =	shalt  }
0x49: {  	_ =	shalt  }
0x4a: {  	_ =	shalt  }
0x4b: {  	_ =	shalt  }
0x4c: {  	_ =	shalt  }
0x4d: {  	_ =	shalt  }
0x4e: {  	_ =	shalt  }
0x4f: {  	_ =	shalt  }
0x50: {  	_ =	shalt  }
0x51: {  	_ =	shalt  }
0x52: {  	_ =	shalt  }
0x53: {  	_ =	shalt  }
0x54: {  	_ =	shalt  }
0x55: {  	_ =	shalt  }
0x56: {  	_ =	shalt  }
0x57: {  	_ =	shalt  }
0x58: {  	_ =	shalt  }
0x59: {  	_ =	shalt  }
0x5a: {  	_ =	shalt  }
0x5b: {  	_ =	shalt  }
0x5c: {  	_ =	shalt  }
0x5d: {  	_ =	shalt  }
0x5e: {  	_ =	shalt  }
0x5f: {  	_ =	shalt  }
0x60: {  	_ =	shalt  }
0x61: {  	_ =	shalt  }
0x62: {  	_ =	shalt  }
0x63: {  	_ =	shalt  }
0x64: {  	_ =	shalt  }
0x65: {  	_ =	shalt  }
0x66: {  	_ =	shalt  }
0x67: {  	_ =	shalt  }
0x68: {  	_ =	shalt  }
0x69: {  	_ =	shalt  }
0x6a: {  	_ =	shalt  }
0x6b: {  	_ =	shalt  }
0x6c: {  	_ =	shalt  }
0x6d: {  	_ =	shalt  }
0x6e: {  	_ =	shalt  }
0x6f: {  	_ =	shalt  }
0x70: {  	_ =	shalt  }
0x71: {  	_ =	shalt  }
0x72: {  	_ =	shalt  }
0x73: {  	_ =	shalt  }
0x74: {  	_ =	shalt  }
0x75: {  	_ =	shalt  }
0x76: {  	_ =	shalt  }
0x77: {  	_ =	shalt  }
0x78: {  	_ =	shalt  }
0x79: {  	_ =	shalt  }
0x7a: {  	_ =	shalt  }
0x7b: {  	_ =	shalt  }
0x7c: {  	_ =	shalt  }
0x7d: {  	_ =	shalt  }
0x7e: {  	_ =	shalt  }
0x7f: {  	_ =	shalt  }
0x80: {  	_ =	shalt  }
0x81: {  	_ =	shalt  }
0x82: {  	_ =	shalt  }
0x83: {  	_ =	shalt  }
0x84: {  	_ =	shalt  }
0x85: {  	_ =	shalt  }
0x86: {  	_ =	shalt  }
0x87: {  	_ =	shalt  }
.Lfunc_end0:
.L_simem_size_0:
called_computation_lowered:
.L_overlay_start_0:
0x88: {  	s2 =	sld [smem:$0x3FD9]  }
0x89: {  	s3 =	sld [smem:$0x3FFE];
	_ =	sdelay $0x1  }
0x8a: {  	s1 =	srdreg.scid  }
0x8b: {  	s0 =	sand.u32 $0x1, s1  }
0x8c: {  	s17 =	sshll.u32 s0, $0xA;
	s2 =	sadd.s32 s3, s2  }
0x8d: {  	s2 =	sadd.s32 s2, s17  }
0x8e: {  	[smem:$0x3FC5] =	sst s2  }
0x8f: {  	_ = 	snop  }
0x90: {  	s2 =	sld [smem:$0x3FD0];
	(tm) =	ssettm $0x1  }
0x91: {  	s18 =	sld [smem:$0x3FFB];
	_ =	sdelay $0x3  }
0x92: {  	_ =	strace s18  }
0x93: {  	s3 =	sld [smem:$0x3FFC];
	_ =	sdelay $0x3  }
0x94: {  	_ =	strace s3  }
0x95: {  	s3 =	sld [smem:$0x3FFD];
	_ =	sdelay $0x3  }
0x96: {  	_ =	strace s3  }
0x97: {  	_ =	strace $0x8FFFFFFF  }
0x98: {  	s19 =	sld [smem:$0x3FDB];
	_ =	sdelay $0x1  }
0x99: {  	s4 =	simm.s32 $_scs_section_size  }
0x9a: {  	s5 =	simm.s32 $_size__tile_overlayer_lowered;
	s6 =	simm.s32 $_tile_overlayer_lowered  }
0x9b: {  	s22 =	simm.s32 $0x1BFF;
	s21 =	sshll.u32 s6, $0x1;
	s3 =	sadd.s32 s4, s19  }
0x9c: {  	s7 =	simm.s32 $0x0;
	s20 =	sshll.u32 s5, $0x1;
	s5 =	sadd.s32 s21, s3  }
0x9d: {  	[timem:s7], [sflag:s22] =	dma.local [hbm:s5], s20  }
0x9e: {  	_ =	swait.ge [sflag:s22], s20  }
0x9f: {  	s4 =	ssub.s32 $0x0, s20;
	[sflag:s22] =	ssyncset.done $0x0  }
0xa0: {  	[sflag:s22] =	ssyncadd.s32 s4;
	_ =	sdelay $0x1  }
0xa1: {  	s23 =	simm.s32 $0x1B8B  }
0xa2: {  	_ =	swait.ge [sflag:s23], $0x1  }
0xa3: {  	[sflag:s23] =	ssyncset.done $0x0  }
0xa4: {  	s25 =	simm.s32 $0x1B8E;
	s24 =	sld [smem:$0x3FFE];
	[sflag:s23] =	ssyncadd.s32 $0xFFFFFFFF  }
0xa5: {  	s26 =	simm.s32 $execute0_lowered;
	[smem:$0x3FD2] =	sst s25  }
0xa6: {  	s5 =	sshll.u32 s26, $0x1;
	_ =	strace $0x80000046;
	[dreg:$0x1] =	wrdreg $0xFFFFFFFF  }
0xa7: {  	s28 =	simm.s32 $_size_execute0_lowered;
	s3 =	sadd.s32 s3, s5;
	[dreg:$0x0] =	wrdreg $0x0  }
0xa8: {  	s5 =	sshll.u32 s28, $0x1;
	[dreg:$0x2] =	wrdreg s3  }
0xa9: {  	[dreg:$0x3] =	wrdreg s5  }
0xaa: {  	[dreg:$0x4] =	wrdreg $0xC0  }
0xab: {  	_ =	task [dreg:s7], $0x5FFFF  }
0xac: {  	[dreg:$0x1] =	wrdreg $0xFFFFFFFF  }
0xad: {  	[dreg:$0x0] =	wrdreg $0x60  }
0xae: {  	[dreg:$0x2] =	wrdreg s24  }
0xaf: {  	[dreg:$0x3] =	wrdreg s2  }
0xb0: {  	[dreg:$0x4] =	wrdreg $0x9  }
0xb1: {  	_ =	task.clear_ibuf [dreg:s7], $0x5FFFF;
	_ =	strace $0x90000046  }
0xb2: {  	s29 =	simm.s32 $0x9;
	_ =	strace $0x80000048  }
0xb3: {  	_ =	swait.ge [sflag:s29], $0x1  }
0xb4: {  	[sflag:s29] =	ssyncadd.s32 $0xFFFFFFFF  }
0xb5: {  	_ =	strace $0x90000048  }
0xb6: {  	_ =	sfence  }
0xb7: {  	s30 =	sld [smem:$0x0];
	_ =	sdelay $0x2  }
0xb8: {  	s31 =	sshll.u32 s1, $0xD;
	s1 =	sshrl.u32 s1, $0x2  }
0xb9: {  	s3 =	sand.u32 $0x4000, s31;
	s1 =	sadd.s32 s1, s30  }
0xba: {  	s0 =	sor.u32 s3, s0;
	s1 =	sshll.u32 s1, $0x11  }
0xbb: {  	s0 =	sor.u32 s1, s0  }
0xbc: {  	s0 =	sadd.s32 $0x8F2B, s0  }
0xbd: {  	[sflag:s0] =	ssyncadd.remote.s32 $0x1  }
0xbe: {  	_ =	sfence.sel $0xFFFF  }
0xbf: {  	[dreg:$0x0] =	wrdreg $0xFFFFFFFF;
	(pc) =	sbr.abs _section_cstart, $3  }
0xc0: {  	[dreg:$0x1] =	wrdreg $0xFFFFFFFF  }
0xc1: {  	_ =	task.clear_ibuf [dreg:s7], $0x2FFFF;
	_ =	strace $0x9FFFFFFF  }
0xc2: {  	(tm) =	ssettm $0x7FFFFFFF  }
0xc3: {  	_ =	shalt  }
tec
execute0_lowered:
.L_overlay_start_1:
0x0: {  	(tag) =	ssettag $0x1  }
0x1: {  	s0 =	rddreg [dreg:$0x0]  }
0x2: {  	s1 =	srdreg.scid;
	s13 =	stileid.u32  }
0x3: {  	s4 =	rddreg [dreg:$0x1];
	s2 =	simm.s32 $0x0;
	s14 =	simm.s32 $0x12000  }
0x4: {  	s28 =	simm.s32 $0x18800;
	s29 =	simm.s32 $0x19000;
	s11 =	smul.u32 $0x1200000, s13  }
0x5: {  	s30 =	simm.s32 $0x19800;
	s31 =	simm.s32 $0x1;
	s22 =	smul.u32 $0x4800, s13  }
0x6: {  	s15 =	simm.s32 $0x4;
	s1 =	sand.u32 $0x1, s1;
	s24 =	smul.u32 $0x240000, s13  }
0x7: {  	s16 =	simm.s32 $0x3;
	s17 =	simm.s32 $0x5;
	s20 =	smul.u32 $0x900000, s1  }
0x8: {  	s18 =	simm.s32 $0x6;
	s3 =	sshll.u32 s13, $0x1;
	s12 =	smul.u32 $0x2400, s1  }
0x9: {  	s5 =	sor.u32 s1, s3;
	s6 =	ssub.s32 $0x2, s1;
	s1 =	smul.u32 $0x120000, s1  }
0xa: {  	[smem:$0x7FF] =	sst s2;
	s13 =	simm.s32 $0x1D800;
	s3 =	smul.u32 $0x2400, s5  }
0xb: {  	_ =	strace $0x80000047;
	s8 =	sshrl.u32 s6, $0x1;
	s9 =	smul.u32 $0x120000, s5  }
0xc: {  	s10 =	smul.u32 $0x900000, s5;
	s5 =	sadd.s32 $0x48900, s0;
	s8 =	ssub.s32 s6, s8  }
0xd: {  	s6 =	sadd.s32 $0x48A00, s0;
	s25 =	sadd.s32 s12, s22;
	s22 =	simm.s32 $0x16000  }
0xe: {  	s12 =	simm.s32 $0x2;
	s7 =	sadd.s32 s3, s0;
	s3 =	sadd.s32 $0x48800, s0  }
0xf: {  	s9 =	sadd.s32 s4, s9;
	s21 =	sshrl.u32 s10, $0x3;
	s8 =	smax.u32 s8, $0x1  }
0x10: {  	[dreg:$0xa] =	wrdreg s25;
	s25 =	simm.s32 $0x17800;
	s10 =	simm.s32 $0x1C800  }
0x11: {  	s19 =	sadd.s32 $0x800, s7;
	s7 =	sadd.s32 $0x48B00, s0;
	[dreg:$0x6] =	wrdreg s9  }
0x12: {  	s9 =	sadd.s32 s4, s21;
	s0 =	sadd.s32 s20, s11;
	[dreg:$0x9] =	wrdreg s8  }
0x13: {  	s8 =	simm.s32 $0x1B800;
	s11 =	simm.s32 $0x1D000;
	s20 =	simm.s32 $0x0  }
0x14: {  	[dreg:$0x5] =	wrdreg s19;
	s23 =	sadd.s32 $0x11F000, s9;
	s0 =	sor.u32 $0xC000, s0  }
0x15: {  	s9 =	sadd.s32 $0x11F800, s9;
	[dreg:$0x7] =	wrdreg s23;
	s0 =	sshrl.u32 s0, $0x3  }
0x16: {  	[dreg:$0x8] =	wrdreg s9;
	s9 =	simm.s32 $0x1C000;
	s0 =	sadd.s32 s0, s4  }
0x17: {  	v0 =	vlaneseq.u32;
	s4 =	sadd.s32 s24, s4;
	s24 =	simm.s32 $0x17000;
	[dreg:$0x3] =	wrdreg s0  }
0x18: {  	vm0 =	vmmov $0xffff;
	v2 =	vshrl.u32 v0, $0x3;
	s26 =	sadd.s32 s1, s4;
	s1 =	simm.s32 $0x1A000;
	s0 =	simm.s32 $0x1A800  }
0x19: {  	v1 =	vand.u32 $0x7, v0;
	v3 =	vor.u32 $0x8, v0;
	v2 =	vmul.u32 $0x8, v2;
	s4 =	simm.s32 $0x1B000;
	[dreg:$0x4] =	wrdreg s26;
	s26 =	simm.s32 $0x18000  }
.LBB2_1:
0x1a: {  	s21 =	rddreg [dreg:$0xa]  }
0x1b: {  	[dreg:$0xb] =	wrdreg s20;
	v4 =	vor.u32 s21, v0  }
0x1c: {  	s19 =	rddreg [dreg:$0x5];
	s23 =	simm.s32 $0x7;
	v5 =	vmulhi.u32 $0x38E38E39, v4  }
0x1d: {  	[tilespmem:s2], [sflag:$0x7] =	stream.linear.gather [hbm4b:s19+s2], $0x12000, $0x38;
	[tilespmem:$0x1E000] =	vst v63  }
0x1e: {  	_ =	swait.ge [sflag:s23], $0x12000;
	v5 =	vshrl.u32 v5, $0x4  }
0x1f: {  	[sflag:s23] =	ssyncset.done $0x0;
	v5 =	vmul.u32 $0x48, v5  }
0x20: {  	s19 =	simm.s32 $0x0;
	[sflag:s23] =	ssyncadd.s32 $0xFFFEE000  }
0x21: {  	v6 =	vsub.s32 v4, v5;
	v5 =	vld [tilespmem:s19+$0x0];
	_ =	sdelay $0x2  }
0x22: {  	s21 =	sadd.s32 $0x10, s21  }
0x23: {  	s20 =	simm.s32 $0x200;
	s23 =	simm.s32 $0x400;
	v4 =	vor.u32 s21, v0;
	v6 =	vshll.u32 v6, $0x7  }
.LBB2_2:
0x24: {  	p0 =	sne.s32 s23, $0x47E00;
	v7 =	vmulhi.u32 $0x38E38E39, v4;
	v5 =	vadd.s32 v6, v5  }
0x25: {  	[tilespmem:s19+$0x0] =	vst v5;
	s19 =	sshra.s32 s20, $0x2;
	s20 =	smov.u32 s23  }
.Ltmp0:
0x26: {  	v6 =	vshrl.u32 v7, $0x4;
	v5 =	vld [tilespmem:s19+$0x0];
	(pc) =	sbr.rel @p0 .LBB2_2-.Ltmp0, $3  }
0x27: {  	v6 =	vmul.u32 $0x48, v6;
	_ =	sdelay $0x1  }
0x28: {  	s21 =	sadd.s32 $0x10, s21;
	v6 =	vsub.s32 v4, v6  }
0x29: {  	s23 =	sadd.s32 $0x200, s23;
	v4 =	vor.u32 s21, v0;
	v6 =	vshll.u32 v6, $0x7  }
0x2a: {  	v7 =	vmulhi.u32 $0x38E38E39, v4;
	v5 =	vadd.s32 v6, v5  }
0x2b: {  	s20 =	sshra.s32 s20, $0x2;
	[tilespmem:s19+$0x0] =	vst v5  }
0x2c: {  	v5 =	vshrl.u32 v7, $0x4;
	v63 =	vld [tilespmem:s20+$0x0]  }
0x2d: {  	v5 =	vmul.u32 $0x48, v5;
	_ =	sdelay $0x1  }
0x2e: {  	v4 =	vsub.s32 v4, v5  }
0x2f: {  	v4 =	vshll.u32 v4, $0x7  }
0x30: {  	v4 =	vadd.s32 v4, v63  }
0x31: {  	[tilespmem:s20+$0x0] =	vst v4  }
0x32: {  	v4 =	vld [tilespmem:$0x0];
	_ =	sdelay $0x4  }
0x33: {  	v5 =	vshll.u32 v4, $0x3  }
0x34: {  	v4 =	vand.u32 $0x7, v4;
	v5 =	vand.u32 $0xFFFFFFC0, v5  }
0x35: {  	v4 =	vor.u32 v4, v5  }
0x36: {  	v5 =	vperm.xlane v4, v1;
	_ =	sdelay $0x1  }
0x37: {  	v5 =	vadd.s32 v2, v5;
	_ =	sdelay $0x3  }
0x38: {  	s19 =	simm.s32 $0x0  }
0x39: {  	[tilespmem:s14], [sflag:$0x1] =	stream.indirect_vreg.gather [hbm4b:s3+s19], $0x80, v5, vm0, $0xb8;
	[tilespmem:$0x1E000] =	vst v63  }
0x3a: {  	s23 =	simm.s32 $0x12800;
	v4 =	vperm.xlane v4, v3  }
0x3b: {  	[tilespmem:s23], [sflag:$0x1] =	stream.indirect_vreg.gather [hbm4b:s5+s19], $0x80, v5, vm0, $0xb8;
	[tilespmem:$0x1E000] =	vst v63  }
0x3c: {  	s21 =	simm.s32 $0x13000;
	v4 =	vadd.s32 v2, v4  }
0x3d: {  	[tilespmem:s21], [sflag:$0x1] =	stream.indirect_vreg.gather [hbm4b:s6+s19], $0x80, v5, vm0, $0xb8;
	[tilespmem:$0x1E000] =	vst v63  }
0x3e: {  	s23 =	simm.s32 $0x13800  }
0x3f: {  	[tilespmem:s23], [sflag:$0x1] =	stream.indirect_vreg.gather [hbm4b:s7+s19], $0x80, v5, vm0, $0xb8;
	[tilespmem:$0x1E000] =	vst v63  }
0x40: {  	s21 =	simm.s32 $0x14000  }
0x41: {  	[tilespmem:s21], [sflag:$0x1] =	stream.indirect_vreg.gather [hbm4b:s3+s19], $0x80, v4, vm0, $0xb8;
	[tilespmem:$0x1E000] =	vst v63  }
0x42: {  	s23 =	simm.s32 $0x14800  }
0x43: {  	[tilespmem:s23], [sflag:$0x1] =	stream.indirect_vreg.gather [hbm4b:s5+s19], $0x80, v4, vm0, $0xb8;
	[tilespmem:$0x1E000] =	vst v63  }
0x44: {  	s21 =	simm.s32 $0x15000  }
0x45: {  	[tilespmem:s21], [sflag:$0x1] =	stream.indirect_vreg.gather [hbm4b:s6+s19], $0x80, v4, vm0, $0xb8;
	[tilespmem:$0x1E000] =	vst v63  }
0x46: {  	s23 =	simm.s32 $0x15800  }
0x47: {  	[tilespmem:s23], [sflag:$0x1] =	stream.indirect_vreg.gather [hbm4b:s7+s19], $0x80, v4, vm0, $0xb8;
	[tilespmem:$0x1E000] =	vst v63  }
0x48: {  	v4 =	vld [tilespmem:$0x80];
	_ =	sdelay $0x4  }
0x49: {  	v5 =	vshll.u32 v4, $0x3  }
0x4a: {  	v4 =	vand.u32 $0x7, v4;
	v5 =	vand.u32 $0xFFFFFFC0, v5  }
0x4b: {  	v4 =	vor.u32 v4, v5  }
0x4c: {  	v5 =	vperm.xlane v4, v1;
	_ =	sdelay $0x1  }
0x4d: {  	v5 =	vadd.s32 v2, v5;
	_ =	sdelay $0x4  }
0x4e: {  	[tilespmem:s22], [sflag:$0x2] =	stream.indirect_vreg.gather [hbm4b:s3+s19], $0x80, v5, vm0, $0xb8;
	[tilespmem:$0x1E000] =	vst v63  }
0x4f: {  	s21 =	simm.s32 $0x16800;
	v4 =	vperm.xlane v4, v3  }
0x50: {  	[tilespmem:s21], [sflag:$0x2] =	stream.indirect_vreg.gather [hbm4b:s5+s19], $0x80, v5, vm0, $0xb8;
	[tilespmem:$0x1E000] =	vst v63  }
0x51: {  	v4 =	vadd.s32 v2, v4  }
0x52: {  	[tilespmem:s24], [sflag:$0x2] =	stream.indirect_vreg.gather [hbm4b:s6+s19], $0x80, v5, vm0, $0xb8;
	[tilespmem:$0x1E000] =	vst v63  }
0x53: {  	_ = 	snop  }
0x54: {  	[tilespmem:s25], [sflag:$0x2] =	stream.indirect_vreg.gather [hbm4b:s7+s19], $0x80, v5, vm0, $0xb8;
	[tilespmem:$0x1E000] =	vst v63  }
0x55: {  	_ = 	snop  }
0x56: {  	[tilespmem:s26], [sflag:$0x2] =	stream.indirect_vreg.gather [hbm4b:s3+s19], $0x80, v4, vm0, $0xb8;
	[tilespmem:$0x1E000] =	vst v63  }
0x57: {  	_ = 	snop  }
0x58: {  	[tilespmem:s28], [sflag:$0x2] =	stream.indirect_vreg.gather [hbm4b:s5+s19], $0x80, v4, vm0, $0xb8;
	[tilespmem:$0x1E000] =	vst v63  }
0x59: {  	_ = 	snop  }
0x5a: {  	[tilespmem:s29], [sflag:$0x2] =	stream.indirect_vreg.gather [hbm4b:s6+s19], $0x80, v4, vm0, $0xb8;
	[tilespmem:$0x1E000] =	vst v63  }
0x5b: {  	_ = 	snop  }
0x5c: {  	[tilespmem:s30], [sflag:$0x2] =	stream.indirect_vreg.gather [hbm4b:s7+s19], $0x80, v4, vm0, $0xb8;
	[tilespmem:$0x1E000] =	vst v63  }
0x5d: {  	_ =	swait.ge [sflag:s31], $0x4000  }
0x5e: {  	[sflag:s31] =	ssyncset.done $0x0  }
0x5f: {  	s23 =	rddreg [dreg:$0x6];
	[sflag:s31] =	ssyncadd.s32 $0xFFFFC000  }
0x60: {  	[hbm4b:s23+s19] =	stream.linear.scatter [tilespmem:s14], [sflag:$0x4], $0x4000, $0x38;
	[tilespmem:$0x1E000] =	vst v63  }
0x61: {  	v4 =	vld [tilespmem:$0x100];
	_ =	sdelay $0x4  }
0x62: {  	v5 =	vshll.u32 v4, $0x3  }
0x63: {  	v4 =	vand.u32 $0x7, v4;
	v5 =	vand.u32 $0xFFFFFFC0, v5  }
0x64: {  	v4 =	vor.u32 v4, v5  }
0x65: {  	v5 =	vperm.xlane v4, v1;
	_ =	sdelay $0x1  }
0x66: {  	v5 =	vadd.s32 v2, v5;
	_ =	sdelay $0x4  }
0x67: {  	[tilespmem:s1], [sflag:$0x3] =	stream.indirect_vreg.gather [hbm4b:s3+s19], $0x80, v5, vm0, $0xb8;
	[tilespmem:$0x1E000] =	vst v63  }
0x68: {  	v4 =	vperm.xlane v4, v3  }
0x69: {  	[tilespmem:s0], [sflag:$0x3] =	stream.indirect_vreg.gather [hbm4b:s5+s19], $0x80, v5, vm0, $0xb8;
	[tilespmem:$0x1E000] =	vst v63  }
0x6a: {  	v4 =	vadd.s32 v2, v4  }
0x6b: {  	[tilespmem:s4], [sflag:$0x3] =	stream.indirect_vreg.gather [hbm4b:s6+s19], $0x80, v5, vm0, $0xb8;
	[tilespmem:$0x1E000] =	vst v63  }
0x6c: {  	_ = 	snop  }
0x6d: {  	[tilespmem:s8], [sflag:$0x3] =	stream.indirect_vreg.gather [hbm4b:s7+s19], $0x80, v5, vm0, $0xb8;
	[tilespmem:$0x1E000] =	vst v63  }
0x6e: {  	_ = 	snop  }
0x6f: {  	[tilespmem:s9], [sflag:$0x3] =	stream.indirect_vreg.gather [hbm4b:s3+s19], $0x80, v4, vm0, $0xb8;
	[tilespmem:$0x1E000] =	vst v63  }
0x70: {  	_ = 	snop  }
0x71: {  	[tilespmem:s10], [sflag:$0x3] =	stream.indirect_vreg.gather [hbm4b:s5+s19], $0x80, v4, vm0, $0xb8;
	[tilespmem:$0x1E000] =	vst v63  }
0x72: {  	_ = 	snop  }
0x73: {  	[tilespmem:s11], [sflag:$0x3] =	stream.indirect_vreg.gather [hbm4b:s6+s19], $0x80, v4, vm0, $0xb8;
	[tilespmem:$0x1E000] =	vst v63  }
0x74: {  	s20 =	simm.s32 $0x280  }
0x75: {  	[tilespmem:s13], [sflag:$0x3] =	stream.indirect_vreg.gather [hbm4b:s7+s19], $0x80, v4, vm0, $0xb8;
	[tilespmem:$0x1E000] =	vst v63  }
.LBB2_4:
0x76: {  	_ =	swait.ge [sflag:s12], $0x4000  }
0x77: {  	s21 =	rddreg [dreg:$0x4]  }
0x78: {  	[sflag:s12] =	ssyncset.done $0x0;
	s21 =	sadd.s32 s19, s21  }
0x79: {  	[sflag:s12] =	ssyncadd.s32 $0xFFFFC000;
	s23 =	sadd.s32 $0x800, s21  }
0x7a: {  	[hbm4b:s23+s2] =	stream.linear.scatter [tilespmem:s22], [sflag:$0x5], $0x4000, $0x38;
	[tilespmem:$0x1E000] =	vst v63  }
0x7b: {  	_ =	swait.ge [sflag:s15], $0x4000  }
0x7c: {  	[sflag:s15] =	ssyncset.done $0x0  }
0x7d: {  	[sflag:s15] =	ssyncadd.s32 $0xFFFFC000  }
0x7e: {  	v4 =	vld [tilespmem:s20+$0xFFFFFF00];
	_ =	sdelay $0x4  }
0x7f: {  	v5 =	vshll.u32 v4, $0x3  }
0x80: {  	v4 =	vand.u32 $0x7, v4;
	v5 =	vand.u32 $0xFFFFFFC0, v5  }
0x81: {  	v4 =	vor.u32 v4, v5  }
0x82: {  	v5 =	vperm.xlane v4, v1;
	_ =	sdelay $0x1  }
0x83: {  	v5 =	vadd.s32 v2, v5;
	_ =	sdelay $0x4  }
0x84: {  	[tilespmem:s14], [sflag:$0x1] =	stream.indirect_vreg.gather [hbm4b:s3+s2], $0x80, v5, vm0, $0xb8;
	[tilespmem:$0x1E000] =	vst v63  }
0x85: {  	s23 =	simm.s32 $0x12800;
	v4 =	vperm.xlane v4, v3  }
0x86: {  	[tilespmem:s23], [sflag:$0x1] =	stream.indirect_vreg.gather [hbm4b:s5+s2], $0x80, v5, vm0, $0xb8;
	[tilespmem:$0x1E000] =	vst v63  }
0x87: {  	v4 =	vadd.s32 v2, v4;
	s23 =	simm.s32 $0x13000  }
0x88: {  	[tilespmem:s23], [sflag:$0x1] =	stream.indirect_vreg.gather [hbm4b:s6+s2], $0x80, v5, vm0, $0xb8;
	[tilespmem:$0x1E000] =	vst v63  }
0x89: {  	s23 =	simm.s32 $0x13800  }
0x8a: {  	[tilespmem:s23], [sflag:$0x1] =	stream.indirect_vreg.gather [hbm4b:s7+s2], $0x80, v5, vm0, $0xb8;
	[tilespmem:$0x1E000] =	vst v63  }
0x8b: {  	s23 =	simm.s32 $0x14000  }
0x8c: {  	[tilespmem:s23], [sflag:$0x1] =	stream.indirect_vreg.gather [hbm4b:s3+s2], $0x80, v4, vm0, $0xb8;
	[tilespmem:$0x1E000] =	vst v63  }
0x8d: {  	s23 =	simm.s32 $0x14800  }
0x8e: {  	[tilespmem:s23], [sflag:$0x1] =	stream.indirect_vreg.gather [hbm4b:s5+s2], $0x80, v4, vm0, $0xb8;
	[tilespmem:$0x1E000] =	vst v63  }
0x8f: {  	s23 =	simm.s32 $0x15000  }
0x90: {  	[tilespmem:s23], [sflag:$0x1] =	stream.indirect_vreg.gather [hbm4b:s6+s2], $0x80, v4, vm0, $0xb8;
	[tilespmem:$0x1E000] =	vst v63  }
0x91: {  	s23 =	simm.s32 $0x15800  }
0x92: {  	[tilespmem:s23], [sflag:$0x1] =	stream.indirect_vreg.gather [hbm4b:s7+s2], $0x80, v4, vm0, $0xb8;
	[tilespmem:$0x1E000] =	vst v63  }
0x93: {  	_ =	swait.ge [sflag:s16], $0x4000  }
0x94: {  	[sflag:s16] =	ssyncset.done $0x0  }
0x95: {  	s21 =	sadd.s32 $0x1000, s21;
	[sflag:s16] =	ssyncadd.s32 $0xFFFFC000  }
0x96: {  	[hbm4b:s21+s2] =	stream.linear.scatter [tilespmem:s1], [sflag:$0x6], $0x4000, $0x38;
	[tilespmem:$0x1E000] =	vst v63  }
0x97: {  	_ =	swait.ge [sflag:s17], $0x4000  }
0x98: {  	[sflag:s17] =	ssyncset.done $0x0  }
0x99: {  	[sflag:s17] =	ssyncadd.s32 $0xFFFFC000  }
0x9a: {  	v4 =	vld [tilespmem:s20+$0xFFFFFF80];
	_ =	sdelay $0x4  }
0x9b: {  	v5 =	vshll.u32 v4, $0x3  }
0x9c: {  	v4 =	vand.u32 $0x7, v4;
	v5 =	vand.u32 $0xFFFFFFC0, v5  }
0x9d: {  	v4 =	vor.u32 v4, v5  }
0x9e: {  	v5 =	vperm.xlane v4, v1;
	_ =	sdelay $0x1  }
0x9f: {  	v5 =	vadd.s32 v2, v5;
	_ =	sdelay $0x4  }
0xa0: {  	[tilespmem:s22], [sflag:$0x2] =	stream.indirect_vreg.gather [hbm4b:s3+s2], $0x80, v5, vm0, $0xb8;
	[tilespmem:$0x1E000] =	vst v63  }
0xa1: {  	s23 =	simm.s32 $0x16800;
	v4 =	vperm.xlane v4, v3  }
0xa2: {  	[tilespmem:s23], [sflag:$0x2] =	stream.indirect_vreg.gather [hbm4b:s5+s2], $0x80, v5, vm0, $0xb8;
	[tilespmem:$0x1E000] =	vst v63  }
0xa3: {  	v4 =	vadd.s32 v2, v4  }
0xa4: {  	[tilespmem:s24], [sflag:$0x2] =	stream.indirect_vreg.gather [hbm4b:s6+s2], $0x80, v5, vm0, $0xb8;
	[tilespmem:$0x1E000] =	vst v63  }
0xa5: {  	_ = 	snop  }
0xa6: {  	[tilespmem:s25], [sflag:$0x2] =	stream.indirect_vreg.gather [hbm4b:s7+s2], $0x80, v5, vm0, $0xb8;
	[tilespmem:$0x1E000] =	vst v63  }
0xa7: {  	_ = 	snop  }
0xa8: {  	[tilespmem:s26], [sflag:$0x2] =	stream.indirect_vreg.gather [hbm4b:s3+s2], $0x80, v4, vm0, $0xb8;
	[tilespmem:$0x1E000] =	vst v63  }
0xa9: {  	_ = 	snop  }
0xaa: {  	[tilespmem:s28], [sflag:$0x2] =	stream.indirect_vreg.gather [hbm4b:s5+s2], $0x80, v4, vm0, $0xb8;
	[tilespmem:$0x1E000] =	vst v63  }
0xab: {  	_ = 	snop  }
0xac: {  	[tilespmem:s29], [sflag:$0x2] =	stream.indirect_vreg.gather [hbm4b:s6+s2], $0x80, v4, vm0, $0xb8;
	[tilespmem:$0x1E000] =	vst v63  }
0xad: {  	_ = 	snop  }
0xae: {  	[tilespmem:s30], [sflag:$0x2] =	stream.indirect_vreg.gather [hbm4b:s7+s2], $0x80, v4, vm0, $0xb8;
	[tilespmem:$0x1E000] =	vst v63  }
0xaf: {  	_ =	swait.ge [sflag:s31], $0x4000  }
0xb0: {  	s23 =	rddreg [dreg:$0x3];
	[sflag:s31] =	ssyncset.done $0x0  }
0xb1: {  	[sflag:s31] =	ssyncadd.s32 $0xFFFFC000;
	s21 =	sadd.s32 s19, s23  }
0xb2: {  	[hbm4b:s21+s2] =	stream.linear.scatter [tilespmem:s14], [sflag:$0x4], $0x4000, $0x38;
	[tilespmem:$0x1E000] =	vst v63  }
0xb3: {  	_ =	swait.ge [sflag:s18], $0x4000  }
0xb4: {  	[sflag:s18] =	ssyncset.done $0x0  }
0xb5: {  	[sflag:s18] =	ssyncadd.s32 $0xFFFFC000  }
0xb6: {  	v4 =	vld [tilespmem:s20+$0x0];
	_ =	sdelay $0x4  }
0xb7: {  	v5 =	vshll.u32 v4, $0x3  }
0xb8: {  	v4 =	vand.u32 $0x7, v4;
	v5 =	vand.u32 $0xFFFFFFC0, v5  }
0xb9: {  	v4 =	vor.u32 v4, v5  }
0xba: {  	v5 =	vperm.xlane v4, v1;
	_ =	sdelay $0x1  }
0xbb: {  	v5 =	vadd.s32 v2, v5;
	_ =	sdelay $0x4  }
0xbc: {  	[tilespmem:s1], [sflag:$0x3] =	stream.indirect_vreg.gather [hbm4b:s3+s2], $0x80, v5, vm0, $0xb8;
	[tilespmem:$0x1E000] =	vst v63  }
0xbd: {  	v4 =	vperm.xlane v4, v3  }
0xbe: {  	[tilespmem:s0], [sflag:$0x3] =	stream.indirect_vreg.gather [hbm4b:s5+s2], $0x80, v5, vm0, $0xb8;
	[tilespmem:$0x1E000] =	vst v63  }
0xbf: {  	v4 =	vadd.s32 v2, v4  }
0xc0: {  	[tilespmem:s4], [sflag:$0x3] =	stream.indirect_vreg.gather [hbm4b:s6+s2], $0x80, v5, vm0, $0xb8;
	[tilespmem:$0x1E000] =	vst v63  }
0xc1: {  	_ = 	snop  }
0xc2: {  	[tilespmem:s8], [sflag:$0x3] =	stream.indirect_vreg.gather [hbm4b:s7+s2], $0x80, v5, vm0, $0xb8;
	[tilespmem:$0x1E000] =	vst v63  }
0xc3: {  	_ = 	snop  }
0xc4: {  	[tilespmem:s9], [sflag:$0x3] =	stream.indirect_vreg.gather [hbm4b:s3+s2], $0x80, v4, vm0, $0xb8;
	[tilespmem:$0x1E000] =	vst v63  }
0xc5: {  	p0 =	sne.s32 s19, $0x11D000  }
0xc6: {  	[tilespmem:s10], [sflag:$0x3] =	stream.indirect_vreg.gather [hbm4b:s5+s2], $0x80, v4, vm0, $0xb8;
	[tilespmem:$0x1E000] =	vst v63  }
.Ltmp1:
0xc7: {  	_ = 	snop;
	(pc) =	sbr.rel @p0 .LBB2_4-.Ltmp1, $4  }
0xc8: {  	_ = 	snop  }
0xc9: {  	[tilespmem:s11], [sflag:$0x3] =	stream.indirect_vreg.gather [hbm4b:s6+s2], $0x80, v4, vm0, $0xb8;
	[tilespmem:$0x1E000] =	vst v63  }
0xca: {  	s19 =	sadd.s32 $0x1800, s19;
	s20 =	sadd.s32 $0x180, s20  }
0xcb: {  	[tilespmem:s13], [sflag:$0x3] =	stream.indirect_vreg.gather [hbm4b:s7+s2], $0x80, v4, vm0, $0xb8;
	[tilespmem:$0x1E000] =	vst v63  }
0xcc: {  	_ =	swait.ge [sflag:s12], $0x4000  }
0xcd: {  	[sflag:s12] =	ssyncset.done $0x0  }
0xce: {  	s19 =	rddreg [dreg:$0x7];
	[sflag:s12] =	ssyncadd.s32 $0xFFFFC000  }
0xcf: {  	[hbm4b:s19+s2] =	stream.linear.scatter [tilespmem:s22], [sflag:$0x5], $0x4000, $0x38;
	[tilespmem:$0x1E000] =	vst v63  }
0xd0: {  	_ =	swait.ge [sflag:s16], $0x4000  }
0xd1: {  	[sflag:s16] =	ssyncset.done $0x0  }
0xd2: {  	s21 =	rddreg [dreg:$0x8];
	[sflag:s16] =	ssyncadd.s32 $0xFFFFC000  }
0xd3: {  	[hbm4b:s21+s2] =	stream.linear.scatter [tilespmem:s1], [sflag:$0x6], $0x4000, $0x38;
	[tilespmem:$0x1E000] =	vst v63  }
0xd4: {  	_ =	swait.ge [sflag:s15], $0x4000  }
0xd5: {  	[sflag:s15] =	ssyncset.done $0x0  }
0xd6: {  	[sflag:s15] =	ssyncadd.s32 $0xFFFFC000  }
0xd7: {  	_ =	swait.ge [sflag:s17], $0x4000  }
0xd8: {  	[sflag:s17] =	ssyncset.done $0x0  }
0xd9: {  	[sflag:s17] =	ssyncadd.s32 $0xFFFFC000  }
0xda: {  	_ =	swait.ge [sflag:s18], $0x4000  }
0xdb: {  	s20 =	rddreg [dreg:$0xb]  }
0xdc: {  	s23 =	rddreg [dreg:$0x9];
	s20 =	sadd.s32 $0x1, s20  }
0xdd: {  	p0 =	sne.s32 s20, s23  }
.Ltmp2:
0xde: {  	_ = 	snop;
	(pc) =	sbr.rel @p0 .LBB2_1-.Ltmp2, $3  }
0xdf: {  	_ =	sdelay $0x1  }
0xe0: {  	[sflag:s18] =	ssyncset.done $0x0  }
0xe1: {  	[sflag:s18] =	ssyncadd.s32 $0xFFFFC000  }
0xe2: {  	_ =	sfence.sel $0x180000  }
0xe3: {  	[bflag:$0x0] =	sbarrier.arrive $0xFFFF  }
0xe4: {  	_ =	strace $0x90000047  }
0xe5: {  	s0 =	stileid.u32;
	[bflag:$0x2] =	sbarrier.arrive $0xFFFF  }
0xe6: {  	p0 =	sne.s32 s0, $0x0;
	s0 =	rddreg [dreg:$0x2]  }
0xe7: {  	s0 =	sadd.s32 @!p0 $0x100000, s0  }
0xe8: {  	[sflag:s0] =	ssyncadd.tile.s32 @!p0 $0x1;
	_ =	shalt  }
.Lfunc_end2:
_tile_overlayer_lowered:
.L_overlay_start_2:
0xe9: {  	(tag) =	ssettag $0x2  }
0xea: {  	s0 =	rddreg [dreg:$0x0];
	s2 =	stileid.u32  }
0xeb: {  	s1 =	rddreg [dreg:$0x1];
	p0 =	sne.s32 s2, $0x0  }
0xec: {  	s3 =	rddreg [dreg:$0x2];
	[bflag:$0x3] =	sbarrier.arrive $0xFFFF;
	s2 =	simm.s32 @!p0 $0x1C07  }
0xed: {  	[timem:s3], [sflag:s2] =	dma.local @!p0 [hbm:s0], s1  }
0xee: {  	s0 =	simm.s32 @!p0 $0x7  }
0xef: {  	_ =	swait.ge @!p0 [sflag:s0], s1  }
0xf0: {  	s1 =	ssub.s32 @!p0 $0x0, s1;
	[sflag:s0] =	ssyncset.done @!p0 $0x0  }
0xf1: {  	[sflag:s0] =	ssyncadd.s32 @!p0 s1  }
0xf2: {  	[bflag:$0x3] =	sbarrier.arrive $0xFFFF  }
0xf3: {  	_ =	shalt  }

</sc_bundles>
